<compile_context>
chip_gen: v7x
topology: tpu7x:2x2x1
jax: 0.10.2.dev20260603
libtpu: 0.0.44.dev20260713+nightly
codegen_flags: <defaults>
</compile_context>

<pallas_src>
import functools

import jax
import jax.numpy as jnp
from jax import lax
from jax.experimental import pallas as pl
from jax.experimental.pallas import tpu as pltpu
from jax.experimental.pallas import tpu_sc as plsc

_B, _S, _D = 4, 2048, 768
_H = 384
_E = 64
_FTW = 0.7
_LBW = 0.01
_TB = 2048
_N = _B * _S
_NBLK = _N // _TB


def _dot(a, b):
    return jnp.dot(a, b, preferred_element_type=jnp.float32)


def _sc_onehot(feature_types):
    info = plsc.get_sparse_core_info()
    nc, ns, lanes = info.num_cores, info.num_subcores, info.num_lanes
    nw = nc * ns
    b_per_w = _N // nw
    gw = 128
    tbl = jnp.eye(3, gw, dtype=jnp.float32)
    idx = feature_types.reshape(_N).astype(jnp.int32)
    mesh = plsc.VectorSubcoreMesh(core_axis_name="c", subcore_axis_name="s")

    @functools.partial(
        pl.kernel, mesh=mesh,
        out_type=jax.ShapeDtypeStruct((_N, gw), jnp.float32),
        scratch_types=[
            pltpu.VMEM((b_per_w,), jnp.int32),
            pltpu.VMEM((b_per_w, gw), jnp.float32),
            pltpu.SemaphoreType.DMA,
        ],
    )
    def _gather(tbl_hbm, idx_hbm, out_hbm, idx_v, rows_v, sem):
        wid = lax.axis_index("s") * nc + lax.axis_index("c")
        base = wid * b_per_w
        pltpu.sync_copy(idx_hbm.at[pl.ds(base, b_per_w)], idx_v)
        pltpu.async_copy(tbl_hbm.at[idx_v], rows_v, sem).wait()
        pltpu.sync_copy(rows_v, out_hbm.at[pl.ds(base, b_per_w)])

    wide = _gather(tbl, idx)
    return wide[:, :3].reshape(_B, _S, 3)


def _moe_kernel(x_ref, ft_ref, wg1_ref, bg1_ref, wg2_ref, bg2_ref, wg3_ref,
                te_ref, wtp_ref, btpg3_ref, ws1_ref, bs1_ref, ws2_ref, bs2_ref,
                routing_ref, lb_ref, ent_ref, acc_ref,
                tbl_ref, usage_acc, ent_acc, eq_acc):
    i = pl.program_id(0)

    @pl.when(i == 0)
    def _init():
        usage_acc[...] = jnp.zeros_like(usage_acc)
        ent_acc[...] = jnp.zeros_like(ent_acc)
        eq_acc[...] = jnp.zeros_like(eq_acc)
        table1 = _dot(te_ref[...], wtp_ref[...]) + btpg3_ref[...]
        tbl_ref[0:3, :] = jnp.exp(table1)

    x = x_ref[...]
    ft = ft_ref[...]

    i3 = jax.lax.broadcasted_iota(jnp.int32, (1, 3), 1)
    oh = (ft == i3).astype(jnp.float32)
    eq_acc[...] += jnp.sum(oh * oh).reshape(1, 1)

    h = jnp.maximum(_dot(x, wg1_ref[...]) + bg1_ref[...], 0.0)
    h = jnp.maximum(_dot(h, wg2_ref[...]) + bg2_ref[...], 0.0)
    gl = _dot(h, wg3_ref[...])

    sp = jnp.maximum(_dot(x, ws1_ref[...]) + bs1_ref[...], 0.0)
    s = _dot(sp, ws2_ref[...]) + bs2_ref[...]

    bf = jnp.where(ft == 0, tbl_ref[0:1, :],
                   jnp.where(ft == 1, tbl_ref[1:2, :], tbl_ref[2:3, :]))

    ones_col = jnp.ones((_E, 1), jnp.float32)
    e1 = jnp.exp(gl) * bf
    e2 = jnp.exp(s)
    d1 = _dot(e1, ones_col)
    d2 = _dot(e2, ones_col)
    r = (_FTW / d1) * e1 + ((1.0 - _FTW) / d2) * e2
    iE = jax.lax.broadcasted_iota(jnp.int32, (1, _E), 1)
    rr = jnp.where((iE % 3) == ft, r + 0.5, r)

    e3 = jnp.exp(rr)
    d3 = _dot(e3, ones_col)
    u3 = _dot(e3 * rr, ones_col)
    inv3 = 1.0 / d3
    routing = e3 * inv3
    routing_ref[...] = routing

    usage_acc[...] += jnp.sum(routing, axis=0, keepdims=True)
    ent_tok = u3 * inv3 - jnp.log(d3)
    ent_acc[...] += jnp.sum(ent_tok).reshape(1, 1)

    @pl.when(i == _NBLK - 1)
    def _fin():
        u = usage_acc[...] / float(_N)
        lb_ref[...] = (float(_E) * _LBW * jnp.sum(u * u)).reshape(1, 1)
        ent_ref[...] = (-ent_acc[0, 0] / float(_N)).reshape(1, 1)
        acc_ref[...] = (eq_acc[0, 0] / float(_N)).reshape(1, 1)


def kernel(x, feature_types, W_g1, b_g1, W_g2, b_g2, W_g3, b_g3, type_emb, W_tp, b_tp, W_s1, b_s1, W_s2, b_s2):
    x2 = x.reshape(_N, _D)
    ft2 = feature_types.reshape(_N, 1).astype(jnp.int32)
    btpg3 = (b_tp + b_g3).reshape(1, _E)

    const = lambda shape: pl.BlockSpec(shape, lambda i: (0, 0))
    outs = pl.pallas_call(
        _moe_kernel,
        grid=(_NBLK,),
        in_specs=[
            pl.BlockSpec((_TB, _D), lambda i: (i, 0)),
            pl.BlockSpec((_TB, 1), lambda i: (i, 0)),
            const((_D, _H)), const((1, _H)),
            const((_H, _H // 2)), const((1, _H // 2)),
            const((_H // 2, _E)),
            const((3, _H // 4)), const((_H // 4, _E)), const((1, _E)),
            const((_D, _D // 2)), const((1, _D // 2)),
            const((_D // 2, _E)), const((1, _E)),
        ],
        out_specs=[
            pl.BlockSpec((_TB, _E), lambda i: (i, 0)),
            const((1, 1)), const((1, 1)), const((1, 1)),
        ],
        out_shape=[
            jax.ShapeDtypeStruct((_N, _E), jnp.float32),
            jax.ShapeDtypeStruct((1, 1), jnp.float32),
            jax.ShapeDtypeStruct((1, 1), jnp.float32),
            jax.ShapeDtypeStruct((1, 1), jnp.float32),
        ],
        scratch_shapes=[
            pltpu.VMEM((8, _E), jnp.float32),
            pltpu.VMEM((1, _E), jnp.float32),
            pltpu.VMEM((1, 1), jnp.float32),
            pltpu.VMEM((1, 1), jnp.float32),
        ],
        compiler_params=pltpu.CompilerParams(dimension_semantics=("arbitrary",)),
    )(x2, ft2, W_g1, b_g1.reshape(1, _H), W_g2, b_g2.reshape(1, _H // 2), W_g3,
      type_emb, W_tp, btpg3, W_s1, b_s1.reshape(1, _D // 2), W_s2, b_s2.reshape(1, _E))

    routing, lb, ent, acc = outs
    pred = _sc_onehot(feature_types)
    return (routing.reshape(_B, _S, _E), pred,
            lb[0, 0], ent[0, 0], acc[0, 0])

# --- scband reference (transcript-rebuilt; emitter-appended) ---
"""Pipeline reference for scband-adaptive-tabular-mo-elayer-28260884807821 (READ-ONLY COPY).

The authoritative reference and input builder live on the scoring server;
editing this copy changes nothing except your own understanding.
"""

import jax, jax.numpy as jnp
import numpy as np

B, S, D = 4, 2048, 768
H = 384
E = 64
FEATURE_TYPE_WEIGHT = 0.7
TEMPERATURE = 1.0
LOAD_BALANCE_WEIGHT = 0.01


def _expert_type_mask():
    # expert i has type i % 3 (numeric=0, categorical=1, interaction=2) per init expert_types
    types = np.array([i % 3 for i in range(E)])
    mask = np.zeros((3, E), dtype=np.float32)
    mask[types, np.arange(E)] = 0.5
    return jnp.asarray(mask)


def setup_inputs(seed=0) -> dict:
    key = jax.random.key(seed)
    ks = jax.random.split(key, 16)

    def lin(k, fan_in, fan_out):
        lim = np.sqrt(6.0 / (fan_in + fan_out))
        return jax.random.uniform(k, (fan_in, fan_out), jnp.float32, -lim, lim)

    inp = {}
    inp["x"] = jax.random.normal(ks[0], (B, S, D), dtype=jnp.float32)
    inp["feature_types"] = jax.random.randint(ks[1], (B, S), 0, 3)
    # GatingNetwork (primary router): Linear(D,H) -> ReLU -> Linear(H,H//2) -> ReLU -> Linear(H//2,E)
    inp["W_g1"] = lin(ks[2], D, H)
    inp["b_g1"] = jnp.zeros((H,), jnp.float32)
    inp["W_g2"] = lin(ks[3], H, H // 2)
    inp["b_g2"] = jnp.zeros((H // 2,), jnp.float32)
    inp["W_g3"] = lin(ks[4], H // 2, E)
    inp["b_g3"] = jnp.zeros((E,), jnp.float32)
    # feature type embedding (3, H//4) and type projection Linear(H//4, E)
    inp["type_emb"] = jax.random.normal(ks[5], (3, H // 4), dtype=jnp.float32)
    inp["W_tp"] = lin(ks[6], H // 4, E)
    inp["b_tp"] = jnp.zeros((E,), jnp.float32)
    # secondary router: Linear(D, D//2) -> ReLU -> Linear(D//2, E)
    inp["W_s1"] = lin(ks[7], D, D // 2)
    inp["b_s1"] = jnp.zeros((D // 2,), jnp.float32)
    inp["W_s2"] = lin(ks[8], D // 2, E)
    inp["b_s2"] = jnp.zeros((E,), jnp.float32)
    return inp


def reference(x, feature_types, W_g1, b_g1, W_g2, b_g2, W_g3, b_g3, type_emb, W_tp, b_tp, W_s1, b_s1, W_s2, b_s2):
    type_mask = _expert_type_mask()
    predicted = jax.nn.one_hot(feature_types, 3, dtype=jnp.float32)
    # primary router (GatingNetwork), eval mode so dropout is identity
    h = jax.nn.relu(x @ W_g1 + b_g1)
    h = jax.nn.relu(h @ W_g2 + b_g2)
    gate_logits = h @ W_g3 + b_g3
    te = predicted @ type_emb
    gate_logits = gate_logits + (te @ W_tp + b_tp)
    primary = jax.nn.softmax(gate_logits, axis=-1)
    # secondary router
    s = jax.nn.relu(x @ W_s1 + b_s1) @ W_s2 + b_s2
    secondary = jax.nn.softmax(s / TEMPERATURE, axis=-1)
    routing = FEATURE_TYPE_WEIGHT * primary + (1.0 - FEATURE_TYPE_WEIGHT) * secondary
    # feature-type bias: +0.5 on experts whose type matches the token's feature type (gather)
    routing = routing + predicted @ type_mask
    routing = jax.nn.softmax(routing / TEMPERATURE, axis=-1)
    # metrics (load-balance loss / entropy / type accuracy; unshown torch helpers assumed standard)
    usage = routing.mean(axis=(0, 1))
    lb_loss = E * jnp.sum(usage * usage) * LOAD_BALANCE_WEIGHT
    entropy = -jnp.mean(jnp.sum(routing * jnp.log(routing + 1e-9), axis=-1))
    acc = jnp.mean((jnp.argmax(predicted, axis=-1) == feature_types).astype(jnp.float32))
    return (routing, predicted, lb_loss, entropy, acc)

if __name__ == "__main__":
    import jax
    _d = setup_inputs()
    print(jax.jit(kernel)(*tuple(_d.values())))

</pallas_src>

<mosaic_0001>
#map = affine_map<(d0, d1) -> (0, 0)>
#map1 = affine_map<(d0, d1) -> (0)>
module attributes {stable_mosaic.version = 14 : i64} {
  func.func @_gather(%arg0: i32, %arg1: i32, %arg2: memref<3x128xf32, #tpu.memory_space<hbm>>, %arg3: memref<8192xi32, #tpu.memory_space<hbm>>, %arg4: memref<8192x128xf32, #tpu.memory_space<hbm>>, %arg5: memref<256xi32, #tpu.memory_space<vmem>>, %arg6: memref<256x128xf32, #tpu.memory_space<vmem>>, %arg7: memref<!tpu.dma_semaphore, #tpu.memory_space<semaphore_mem>>) attributes {dimension_semantics = [#tpu.dimension_semantics<core_parallel>, #tpu.dimension_semantics<subcore_parallel>], iteration_bounds = array<i64: 2, 16>, scalar_prefetch = 0 : i64, scratch_operands = 3 : i64, tpu.core_type = #tpu.core_type<sc_vector_subcore>, window_params = [{transform_indices = #map}, {transform_indices = #map1}, {transform_indices = #map}]} {
    %mul3A = arith.constant 2 : i32
    %mul3A_0 = arith.muli %arg1, %mul3A : i32
    %add3A = arith.addi %mul3A_0, %arg0 : i32
    %mul3A_1 = arith.constant 256 : i32
    %mul3A_2 = arith.muli %add3A, %mul3A_1 : i32
    "tpu.region"() ({
      %run_scoped3A = tpu.sem_alloc : memref<!tpu.dma_semaphore, #tpu.memory_space<semaphore_mem>>
      %dma_start3A_7 = tpu.memref_slice %arg3[%mul3A_2] : memref<8192xi32, #tpu.memory_space<hbm>> -> memref<256xi32, #tpu.memory_space<hbm>>
      %dma_start3A_8 = tpu.memref_slice %arg3[%mul3A_2] : memref<8192xi32, #tpu.memory_space<hbm>> -> memref<256xi32, #tpu.memory_space<hbm>>
      tpu.enqueue_dma source(%dma_start3A_8 : memref<256xi32, #tpu.memory_space<hbm>>) target(%arg5 : memref<256xi32, #tpu.memory_space<vmem>>) target_semaphore(%run_scoped3A : memref<!tpu.dma_semaphore, #tpu.memory_space<semaphore_mem>>)
      %dma_wait3A_9 = tpu.memref_slice %arg3[%mul3A_2] : memref<8192xi32, #tpu.memory_space<hbm>> -> memref<256xi32, #tpu.memory_space<hbm>>
      %dma_wait3A_10 = tpu.memref_slice %arg3[%mul3A_2] : memref<8192xi32, #tpu.memory_space<hbm>> -> memref<256xi32, #tpu.memory_space<hbm>>
      tpu.wait_dma2 semaphore(%run_scoped3A : memref<!tpu.dma_semaphore, #tpu.memory_space<semaphore_mem>>) src(%dma_wait3A_10 : memref<256xi32, #tpu.memory_space<hbm>>) dst(%arg5 : memref<256xi32, #tpu.memory_space<vmem>>)
      tpu.yield
    }) : () -> ()
    %dma_start3A = arith.constant 0 : i32
    %dma_start3A_3 = arith.constant 0 : i32
    %dma_start3A_4 = tpu.memref_slice %arg2[%dma_start3A, %dma_start3A_3] : memref<3x128xf32, #tpu.memory_space<hbm>> -> memref<3x128xf32, #tpu.memory_space<hbm>>
    tpu.enqueue_indirect_dma source(%dma_start3A_4 : memref<3x128xf32, #tpu.memory_space<hbm>>) target(%arg6 : memref<256x128xf32, #tpu.memory_space<vmem>>) offsets(%arg5 : memref<256xi32, #tpu.memory_space<vmem>>) semaphore(%arg7 : memref<!tpu.dma_semaphore, #tpu.memory_space<semaphore_mem>>)
    %dma_wait3A = arith.constant 0 : i32
    %dma_wait3A_5 = arith.constant 0 : i32
    %dma_wait3A_6 = tpu.memref_slice %arg2[%dma_wait3A, %dma_wait3A_5] : memref<3x128xf32, #tpu.memory_space<hbm>> -> memref<3x128xf32, #tpu.memory_space<hbm>>
    tpu.wait_indirect_dma semaphore(%arg7 : memref<!tpu.dma_semaphore, #tpu.memory_space<semaphore_mem>>) src(%dma_wait3A_6 : memref<3x128xf32, #tpu.memory_space<hbm>>) dst(%arg6 : memref<256x128xf32, #tpu.memory_space<vmem>>)
    "tpu.region"() ({
      %run_scoped3A = tpu.sem_alloc : memref<!tpu.dma_semaphore, #tpu.memory_space<semaphore_mem>>
      %dma_start3A_7 = arith.constant 0 : i32
      %dma_start3A_8 = tpu.memref_slice %arg4[%mul3A_2, %dma_start3A_7] : memref<8192x128xf32, #tpu.memory_space<hbm>> -> memref<256x128xf32, #tpu.memory_space<hbm>>
      %dma_start3A_9 = arith.constant 0 : i32
      %dma_start3A_10 = tpu.memref_slice %arg4[%mul3A_2, %dma_start3A_9] : memref<8192x128xf32, #tpu.memory_space<hbm>> -> memref<256x128xf32, #tpu.memory_space<hbm>>
      tpu.enqueue_dma source(%arg6 : memref<256x128xf32, #tpu.memory_space<vmem>>) target(%dma_start3A_10 : memref<256x128xf32, #tpu.memory_space<hbm>>) target_semaphore(%run_scoped3A : memref<!tpu.dma_semaphore, #tpu.memory_space<semaphore_mem>>)
      %dma_wait3A_11 = arith.constant 0 : i32
      %dma_wait3A_12 = tpu.memref_slice %arg4[%mul3A_2, %dma_wait3A_11] : memref<8192x128xf32, #tpu.memory_space<hbm>> -> memref<256x128xf32, #tpu.memory_space<hbm>>
      %dma_wait3A_13 = arith.constant 0 : i32
      %dma_wait3A_14 = tpu.memref_slice %arg4[%mul3A_2, %dma_wait3A_13] : memref<8192x128xf32, #tpu.memory_space<hbm>> -> memref<256x128xf32, #tpu.memory_space<hbm>>
      tpu.wait_dma2 semaphore(%run_scoped3A : memref<!tpu.dma_semaphore, #tpu.memory_space<semaphore_mem>>) src(%arg6 : memref<256x128xf32, #tpu.memory_space<vmem>>) dst(%dma_wait3A_14 : memref<256x128xf32, #tpu.memory_space<hbm>>)
      tpu.yield
    }) : () -> ()
    return
  }
}

module attributes {stable_mosaic.version = 14 : i64} {
  func.func @_moe_kernel(%arg0: i32, %arg1: memref<2048x768xf32, #tpu.memory_space<vmem>>, %arg2: memref<2048x1xi32, #tpu.memory_space<vmem>>, %arg3: memref<768x384xf32, #tpu.memory_space<vmem>>, %arg4: memref<1x384xf32, #tpu.memory_space<vmem>>, %arg5: memref<384x192xf32, #tpu.memory_space<vmem>>, %arg6: memref<1x192xf32, #tpu.memory_space<vmem>>, %arg7: memref<192x64xf32, #tpu.memory_space<vmem>>, %arg8: memref<3x96xf32, #tpu.memory_space<vmem>>, %arg9: memref<96x64xf32, #tpu.memory_space<vmem>>, %arg10: memref<1x64xf32, #tpu.memory_space<vmem>>, %arg11: memref<768x384xf32, #tpu.memory_space<vmem>>, %arg12: memref<1x384xf32, #tpu.memory_space<vmem>>, %arg13: memref<384x64xf32, #tpu.memory_space<vmem>>, %arg14: memref<1x64xf32, #tpu.memory_space<vmem>>, %arg15: memref<2048x64xf32, #tpu.memory_space<vmem>>, %arg16: memref<1x1xf32, #tpu.memory_space<vmem>>, %arg17: memref<1x1xf32, #tpu.memory_space<vmem>>, %arg18: memref<1x1xf32, #tpu.memory_space<vmem>>, %arg19: memref<8x64xf32, #tpu.memory_space<vmem>>, %arg20: memref<1x64xf32, #tpu.memory_space<vmem>>, %arg21: memref<1x1xf32, #tpu.memory_space<vmem>>, %arg22: memref<1x1xf32, #tpu.memory_space<vmem>>) attributes {dimension_semantics = [#tpu.dimension_semantics<arbitrary>], iteration_bounds = array<i64: 4>, scalar_prefetch = 0 : i64, scratch_operands = 4 : i64, tpu.core_type = #tpu.core_type<tc>, window_params = [{transform_indices = @transform_0, window_bounds = array<i64: 2048, 768>}, {transform_indices = @transform_1, window_bounds = array<i64: 2048, 1>}, {pipeline_mode = #tpu.pipeline_mode<synchronous>, transform_indices = @transform_2, window_bounds = array<i64: 768, 384>}, {pipeline_mode = #tpu.pipeline_mode<synchronous>, transform_indices = @transform_3, window_bounds = array<i64: 1, 384>}, {pipeline_mode = #tpu.pipeline_mode<synchronous>, transform_indices = @transform_4, window_bounds = array<i64: 384, 192>}, {pipeline_mode = #tpu.pipeline_mode<synchronous>, transform_indices = @transform_5, window_bounds = array<i64: 1, 192>}, {pipeline_mode = #tpu.pipeline_mode<synchronous>, transform_indices = @transform_6, window_bounds = array<i64: 192, 64>}, {pipeline_mode = #tpu.pipeline_mode<synchronous>, transform_indices = @transform_7, window_bounds = array<i64: 3, 96>}, {pipeline_mode = #tpu.pipeline_mode<synchronous>, transform_indices = @transform_8, window_bounds = array<i64: 96, 64>}, {pipeline_mode = #tpu.pipeline_mode<synchronous>, transform_indices = @transform_9, window_bounds = array<i64: 1, 64>}, {pipeline_mode = #tpu.pipeline_mode<synchronous>, transform_indices = @transform_10, window_bounds = array<i64: 768, 384>}, {pipeline_mode = #tpu.pipeline_mode<synchronous>, transform_indices = @transform_11, window_bounds = array<i64: 1, 384>}, {pipeline_mode = #tpu.pipeline_mode<synchronous>, transform_indices = @transform_12, window_bounds = array<i64: 384, 64>}, {pipeline_mode = #tpu.pipeline_mode<synchronous>, transform_indices = @transform_13, window_bounds = array<i64: 1, 64>}, {transform_indices = @transform_14, window_bounds = array<i64: 2048, 64>}, {pipeline_mode = #tpu.pipeline_mode<synchronous>, transform_indices = @transform_15, window_bounds = array<i64: 1, 1>}, {pipeline_mode = #tpu.pipeline_mode<synchronous>, transform_indices = @transform_16, window_bounds = array<i64: 1, 1>}, {pipeline_mode = #tpu.pipeline_mode<synchronous>, transform_indices = @transform_17, window_bounds = array<i64: 1, 1>}]} {
    %eq3A = arith.constant 0 : i32
    %eq3A_0 = arith.cmpi eq, %arg0, %eq3A : i32
    %convert_element_type3A = arith.extui %eq3A_0 : i1 to i32
    %cond3A = arith.constant 0 : i32
    %cond3A_1 = arith.cmpi ne, %convert_element_type3A, %cond3A : i32
    scf.if %cond3A_1 {
      %broadcast_in_dim3A_184 = arith.constant 0.000000e+00 : f32
      %broadcast_in_dim3A_185 = vector.broadcast %broadcast_in_dim3A_184 : f32 to vector<1x64xf32>
      %swap3A_186 = arith.constant 0 : index
      %swap3A_187 = arith.constant 0 : index
      %swap3A_188 = vector.load %arg20[%swap3A_186, %swap3A_187] : memref<1x64xf32, #tpu.memory_space<vmem>>, vector<1x64xf32>
      tpu.vector_store %arg20[%swap3A_186, %swap3A_187], %broadcast_in_dim3A_185 {strides = array<i32>} : memref<1x64xf32, #tpu.memory_space<vmem>>, vector<1x64xf32>,
      %broadcast_in_dim3A_189 = arith.constant 0.000000e+00 : f32
      %broadcast_in_dim3A_190 = vector.broadcast %broadcast_in_dim3A_189 : f32 to vector<1x1xf32>
      %swap3A_191 = arith.constant 0 : index
      %swap3A_192 = arith.constant 0 : index
      %swap3A_193 = vector.load %arg21[%swap3A_191, %swap3A_192] : memref<1x1xf32, #tpu.memory_space<vmem>>, vector<1x1xf32>
      tpu.vector_store %arg21[%swap3A_191, %swap3A_192], %broadcast_in_dim3A_190 {strides = array<i32>} : memref<1x1xf32, #tpu.memory_space<vmem>>, vector<1x1xf32>,
      %broadcast_in_dim3A_194 = arith.constant 0.000000e+00 : f32
      %broadcast_in_dim3A_195 = vector.broadcast %broadcast_in_dim3A_194 : f32 to vector<1x1xf32>
      %swap3A_196 = arith.constant 0 : index
      %swap3A_197 = arith.constant 0 : index
      %swap3A_198 = vector.load %arg22[%swap3A_196, %swap3A_197] : memref<1x1xf32, #tpu.memory_space<vmem>>, vector<1x1xf32>
      tpu.vector_store %arg22[%swap3A_196, %swap3A_197], %broadcast_in_dim3A_195 {strides = array<i32>} : memref<1x1xf32, #tpu.memory_space<vmem>>, vector<1x1xf32>,
      %get3A_199 = arith.constant 0 : index
      %get3A_200 = arith.constant 0 : index
      %get3A_201 = vector.load %arg8[%get3A_199, %get3A_200] : memref<3x96xf32, #tpu.memory_space<vmem>>, vector<3x96xf32>
      %get3A_202 = arith.constant 0 : index
      %get3A_203 = arith.constant 0 : index
      %get3A_204 = vector.load %arg9[%get3A_202, %get3A_203] : memref<96x64xf32, #tpu.memory_space<vmem>>, vector<96x64xf32>
      %dot_general3A_205 = arith.constant dense<0.000000e+00> : vector<3x64xf32>
      %dot_general3A_206 = tpu.matmul %get3A_201, %get3A_204, %dot_general3A_205 {dimension_numbers = #tpu.dot_dimension_numbers<[1], [0], [0], [1], [0, 0, 1, 1], [], []>, transpose_lhs_hint = false} : vector<3x96xf32>, vector<96x64xf32>, vector<3x64xf32> -> vector<3x64xf32>
      %get3A_207 = arith.constant 0 : index
      %get3A_208 = arith.constant 0 : index
      %get3A_209 = vector.load %arg10[%get3A_207, %get3A_208] : memref<1x64xf32, #tpu.memory_space<vmem>>, vector<1x64xf32>
      %add3A_210 = vector.broadcast %get3A_209 : vector<1x64xf32> to vector<3x64xf32>
      %add3A_211 = arith.addf %dot_general3A_206, %add3A_210 : vector<3x64xf32>
      %exp3A_212 = math.exp %add3A_211 : vector<3x64xf32>
      %swap3A_213 = arith.constant 0 : index
      %swap3A_214 = arith.constant 0 : index
      %swap3A_215 = vector.load %arg19[%swap3A_213, %swap3A_214] : memref<8x64xf32, #tpu.memory_space<vmem>>, vector<3x64xf32>
      tpu.vector_store %arg19[%swap3A_213, %swap3A_214], %exp3A_212 {strides = array<i32>} : memref<8x64xf32, #tpu.memory_space<vmem>>, vector<3x64xf32>,
    } else {
    }
    %get3A = arith.constant 0 : index
    %get3A_2 = arith.constant 0 : index
    %get3A_3 = vector.load %arg1[%get3A, %get3A_2] : memref<2048x768xf32, #tpu.memory_space<vmem>>, vector<2048x768xf32>
    %get3A_4 = arith.constant 0 : index
    %get3A_5 = arith.constant 0 : index
    %get3A_6 = vector.load %arg2[%get3A_4, %get3A_5] : memref<2048x1xi32, #tpu.memory_space<vmem>>, vector<2048x1xi32>
    %iota3A = tpu.iota {dimensions = array<i32: 1>} : vector<1x3xi32>
    %eq3A_7 = vector.broadcast %get3A_6 : vector<2048x1xi32> to vector<2048x3xi32>
    %eq3A_8 = vector.broadcast %iota3A : vector<1x3xi32> to vector<2048x3xi32>
    %eq3A_9 = arith.cmpi eq, %eq3A_7, %eq3A_8 : vector<2048x3xi32>
    %convert_element_type3A_10 = arith.extui %eq3A_9 : vector<2048x3xi1> to vector<2048x3xi32>
    %convert_element_type3A_11 = arith.sitofp %convert_element_type3A_10 : vector<2048x3xi32> to vector<2048x3xf32>
    %get3A_12 = arith.constant 0 : index
    %get3A_13 = arith.constant 0 : index
    %get3A_14 = vector.load %arg22[%get3A_12, %get3A_13] : memref<1x1xf32, #tpu.memory_space<vmem>>, vector<1x1xf32>
    %mul3A = arith.mulf %convert_element_type3A_11, %convert_element_type3A_11 : vector<2048x3xf32>
    %reduce_sum3A = vector.shape_cast %mul3A : vector<2048x3xf32> to vector<1x2048x3xf32>
    %reduce_sum3A_15 = arith.constant dense<0.000000e+00> : vector<1xf32>
    %reduce_sum3A_16 = vector.multi_reduction <add>, %reduce_sum3A, %reduce_sum3A_15 [1, 2] : vector<1x2048x3xf32> to vector<1xf32>
    %reduce_sum3A_17 = vector.shape_cast %reduce_sum3A_16 : vector<1xf32> to vector<1x1x1xf32>
    %reduce_sum3A_18 = vector.extract %reduce_sum3A_17[0, 0, 0] : f32 from vector<1x1x1xf32>
    %reshape3A = vector.broadcast %reduce_sum3A_18 : f32 to vector<1x1xf32>
    %add3A = arith.addf %get3A_14, %reshape3A : vector<1x1xf32>
    %swap3A = arith.constant 0 : index
    %swap3A_19 = arith.constant 0 : index
    %swap3A_20 = vector.load %arg22[%swap3A, %swap3A_19] : memref<1x1xf32, #tpu.memory_space<vmem>>, vector<1x1xf32>
    tpu.vector_store %arg22[%swap3A, %swap3A_19], %add3A {strides = array<i32>} : memref<1x1xf32, #tpu.memory_space<vmem>>, vector<1x1xf32>,
    %get3A_21 = arith.constant 0 : index
    %get3A_22 = arith.constant 0 : index
    %get3A_23 = vector.load %arg3[%get3A_21, %get3A_22] : memref<768x384xf32, #tpu.memory_space<vmem>>, vector<768x384xf32>
    %dot_general3A = arith.constant dense<0.000000e+00> : vector<2048x384xf32>
    %dot_general3A_24 = tpu.matmul %get3A_3, %get3A_23, %dot_general3A {dimension_numbers = #tpu.dot_dimension_numbers<[1], [0], [0], [1], [0, 0, 1, 1], [], []>, transpose_lhs_hint = false} : vector<2048x768xf32>, vector<768x384xf32>, vector<2048x384xf32> -> vector<2048x384xf32>
    %get3A_25 = arith.constant 0 : index
    %get3A_26 = arith.constant 0 : index
    %get3A_27 = vector.load %arg4[%get3A_25, %get3A_26] : memref<1x384xf32, #tpu.memory_space<vmem>>, vector<1x384xf32>
    %add3A_28 = vector.broadcast %get3A_27 : vector<1x384xf32> to vector<2048x384xf32>
    %add3A_29 = arith.addf %dot_general3A_24, %add3A_28 : vector<2048x384xf32>
    %max3A = arith.constant 0.000000e+00 : f32
    %max3A_30 = vector.broadcast %max3A : f32 to vector<2048x384xf32>
    %max3A_31 = arith.maximumf %add3A_29, %max3A_30 : vector<2048x384xf32>
    %get3A_32 = arith.constant 0 : index
    %get3A_33 = arith.constant 0 : index
    %get3A_34 = vector.load %arg5[%get3A_32, %get3A_33] : memref<384x192xf32, #tpu.memory_space<vmem>>, vector<384x192xf32>
    %dot_general3A_35 = arith.constant dense<0.000000e+00> : vector<2048x192xf32>
    %dot_general3A_36 = tpu.matmul %max3A_31, %get3A_34, %dot_general3A_35 {dimension_numbers = #tpu.dot_dimension_numbers<[1], [0], [0], [1], [0, 0, 1, 1], [], []>, transpose_lhs_hint = false} : vector<2048x384xf32>, vector<384x192xf32>, vector<2048x192xf32> -> vector<2048x192xf32>
    %get3A_37 = arith.constant 0 : index
    %get3A_38 = arith.constant 0 : index
    %get3A_39 = vector.load %arg6[%get3A_37, %get3A_38] : memref<1x192xf32, #tpu.memory_space<vmem>>, vector<1x192xf32>
    %add3A_40 = vector.broadcast %get3A_39 : vector<1x192xf32> to vector<2048x192xf32>
    %add3A_41 = arith.addf %dot_general3A_36, %add3A_40 : vector<2048x192xf32>
    %max3A_42 = arith.constant 0.000000e+00 : f32
    %max3A_43 = vector.broadcast %max3A_42 : f32 to vector<2048x192xf32>
    %max3A_44 = arith.maximumf %add3A_41, %max3A_43 : vector<2048x192xf32>
    %get3A_45 = arith.constant 0 : index
    %get3A_46 = arith.constant 0 : index
    %get3A_47 = vector.load %arg7[%get3A_45, %get3A_46] : memref<192x64xf32, #tpu.memory_space<vmem>>, vector<192x64xf32>
    %dot_general3A_48 = arith.constant dense<0.000000e+00> : vector<2048x64xf32>
    %dot_general3A_49 = tpu.matmul %max3A_44, %get3A_47, %dot_general3A_48 {dimension_numbers = #tpu.dot_dimension_numbers<[1], [0], [0], [1], [0, 0, 1, 1], [], []>, transpose_lhs_hint = false} : vector<2048x192xf32>, vector<192x64xf32>, vector<2048x64xf32> -> vector<2048x64xf32>
    %get3A_50 = arith.constant 0 : index
    %get3A_51 = arith.constant 0 : index
    %get3A_52 = vector.load %arg11[%get3A_50, %get3A_51] : memref<768x384xf32, #tpu.memory_space<vmem>>, vector<768x384xf32>
    %dot_general3A_53 = arith.constant dense<0.000000e+00> : vector<2048x384xf32>
    %dot_general3A_54 = tpu.matmul %get3A_3, %get3A_52, %dot_general3A_53 {dimension_numbers = #tpu.dot_dimension_numbers<[1], [0], [0], [1], [0, 0, 1, 1], [], []>, transpose_lhs_hint = false} : vector<2048x768xf32>, vector<768x384xf32>, vector<2048x384xf32> -> vector<2048x384xf32>
    %get3A_55 = arith.constant 0 : index
    %get3A_56 = arith.constant 0 : index
    %get3A_57 = vector.load %arg12[%get3A_55, %get3A_56] : memref<1x384xf32, #tpu.memory_space<vmem>>, vector<1x384xf32>
    %add3A_58 = vector.broadcast %get3A_57 : vector<1x384xf32> to vector<2048x384xf32>
    %add3A_59 = arith.addf %dot_general3A_54, %add3A_58 : vector<2048x384xf32>
    %max3A_60 = arith.constant 0.000000e+00 : f32
    %max3A_61 = vector.broadcast %max3A_60 : f32 to vector<2048x384xf32>
    %max3A_62 = arith.maximumf %add3A_59, %max3A_61 : vector<2048x384xf32>
    %get3A_63 = arith.constant 0 : index
    %get3A_64 = arith.constant 0 : index
    %get3A_65 = vector.load %arg13[%get3A_63, %get3A_64] : memref<384x64xf32, #tpu.memory_space<vmem>>, vector<384x64xf32>
    %dot_general3A_66 = arith.constant dense<0.000000e+00> : vector<2048x64xf32>
    %dot_general3A_67 = tpu.matmul %max3A_62, %get3A_65, %dot_general3A_66 {dimension_numbers = #tpu.dot_dimension_numbers<[1], [0], [0], [1], [0, 0, 1, 1], [], []>, transpose_lhs_hint = false} : vector<2048x384xf32>, vector<384x64xf32>, vector<2048x64xf32> -> vector<2048x64xf32>
    %get3A_68 = arith.constant 0 : index
    %get3A_69 = arith.constant 0 : index
    %get3A_70 = vector.load %arg14[%get3A_68, %get3A_69] : memref<1x64xf32, #tpu.memory_space<vmem>>, vector<1x64xf32>
    %add3A_71 = vector.broadcast %get3A_70 : vector<1x64xf32> to vector<2048x64xf32>
    %add3A_72 = arith.addf %dot_general3A_67, %add3A_71 : vector<2048x64xf32>
    %eq3A_73 = arith.constant 0 : i32
    %eq3A_74 = vector.broadcast %eq3A_73 : i32 to vector<2048x1xi32>
    %eq3A_75 = arith.cmpi eq, %get3A_6, %eq3A_74 : vector<2048x1xi32>
    %get3A_76 = arith.constant 0 : index
    %get3A_77 = arith.constant 0 : index
    %get3A_78 = vector.load %arg19[%get3A_76, %get3A_77] : memref<8x64xf32, #tpu.memory_space<vmem>>, vector<1x64xf32>
    %eq3A_79 = arith.constant 1 : i32
    %eq3A_80 = vector.broadcast %eq3A_79 : i32 to vector<2048x1xi32>
    %eq3A_81 = arith.cmpi eq, %get3A_6, %eq3A_80 : vector<2048x1xi32>
    %get3A_82 = arith.constant 1 : index
    %get3A_83 = arith.constant 0 : index
    %get3A_84 = vector.load %arg19[%get3A_82, %get3A_83] : memref<8x64xf32, #tpu.memory_space<vmem>>, vector<1x64xf32>
    %get3A_85 = arith.constant 2 : index
    %get3A_86 = arith.constant 0 : index
    %get3A_87 = vector.load %arg19[%get3A_85, %get3A_86] : memref<8x64xf32, #tpu.memory_space<vmem>>, vector<1x64xf32>
    %broadcast_in_dim3A = vector.shape_cast %eq3A_81 : vector<2048x1xi1> to vector<2048x1xi1>
    %broadcast_in_dim3A_88 = vector.broadcast %broadcast_in_dim3A : vector<2048x1xi1> to vector<2048x64xi1>
    %broadcast_in_dim3A_89 = vector.shape_cast %get3A_84 : vector<1x64xf32> to vector<1x64xf32>
    %broadcast_in_dim3A_90 = vector.broadcast %broadcast_in_dim3A_89 : vector<1x64xf32> to vector<2048x64xf32>
    %broadcast_in_dim3A_91 = vector.shape_cast %get3A_87 : vector<1x64xf32> to vector<1x64xf32>
    %broadcast_in_dim3A_92 = vector.broadcast %broadcast_in_dim3A_91 : vector<1x64xf32> to vector<2048x64xf32>
    %select_n3A = arith.select %broadcast_in_dim3A_88, %broadcast_in_dim3A_90, %broadcast_in_dim3A_92 : vector<2048x64xi1>, vector<2048x64xf32>
    %broadcast_in_dim3A_93 = vector.shape_cast %eq3A_75 : vector<2048x1xi1> to vector<2048x1xi1>
    %broadcast_in_dim3A_94 = vector.broadcast %broadcast_in_dim3A_93 : vector<2048x1xi1> to vector<2048x64xi1>
    %broadcast_in_dim3A_95 = vector.shape_cast %get3A_78 : vector<1x64xf32> to vector<1x64xf32>
    %broadcast_in_dim3A_96 = vector.broadcast %broadcast_in_dim3A_95 : vector<1x64xf32> to vector<2048x64xf32>
    %select_n3A_97 = arith.select %broadcast_in_dim3A_94, %broadcast_in_dim3A_96, %select_n3A : vector<2048x64xi1>, vector<2048x64xf32>
    %broadcast_in_dim3A_98 = arith.constant 1.000000e+00 : f32
    %broadcast_in_dim3A_99 = vector.broadcast %broadcast_in_dim3A_98 : f32 to vector<64x1xf32>
    %exp3A = math.exp %dot_general3A_49 : vector<2048x64xf32>
    %mul3A_100 = arith.mulf %exp3A, %select_n3A_97 : vector<2048x64xf32>
    %exp3A_101 = math.exp %add3A_72 : vector<2048x64xf32>
    %dot_general3A_102 = arith.constant dense<0.000000e+00> : vector<2048x1xf32>
    %dot_general3A_103 = tpu.matmul %mul3A_100, %broadcast_in_dim3A_99, %dot_general3A_102 {dimension_numbers = #tpu.dot_dimension_numbers<[1], [0], [0], [1], [0, 0, 1, 1], [], []>, transpose_lhs_hint = false} : vector<2048x64xf32>, vector<64x1xf32>, vector<2048x1xf32> -> vector<2048x1xf32>
    %dot_general3A_104 = arith.constant dense<0.000000e+00> : vector<2048x1xf32>
    %dot_general3A_105 = tpu.matmul %exp3A_101, %broadcast_in_dim3A_99, %dot_general3A_104 {dimension_numbers = #tpu.dot_dimension_numbers<[1], [0], [0], [1], [0, 0, 1, 1], [], []>, transpose_lhs_hint = false} : vector<2048x64xf32>, vector<64x1xf32>, vector<2048x1xf32> -> vector<2048x1xf32>
    %div3A = arith.constant 0.699999988 : f32
    %div3A_106 = vector.broadcast %div3A : f32 to vector<2048x1xf32>
    %div3A_107 = arith.divf %div3A_106, %dot_general3A_103 : vector<2048x1xf32>
    %mul3A_108 = vector.broadcast %div3A_107 : vector<2048x1xf32> to vector<2048x64xf32>
    %mul3A_109 = arith.mulf %mul3A_108, %mul3A_100 : vector<2048x64xf32>
    %div3A_110 = arith.constant 3.000000e-01 : f32
    %div3A_111 = vector.broadcast %div3A_110 : f32 to vector<2048x1xf32>
    %div3A_112 = arith.divf %div3A_111, %dot_general3A_105 : vector<2048x1xf32>
    %mul3A_113 = vector.broadcast %div3A_112 : vector<2048x1xf32> to vector<2048x64xf32>
    %mul3A_114 = arith.mulf %mul3A_113, %exp3A_101 : vector<2048x64xf32>
    %add3A_115 = arith.addf %mul3A_109, %mul3A_114 : vector<2048x64xf32>
    %iota3A_116 = tpu.iota {dimensions = array<i32: 1>} : vector<1x64xi32>
    %jit3A = arith.constant 3 : i32
    %eq3A_117 = arith.constant 0 : i32
    %eq3A_118 = arith.cmpi eq, %jit3A, %eq3A_117 : i32
    %jit3A_119 = arith.constant 1 : i32
    %select_n3A_120 = arith.select %eq3A_118, %jit3A_119, %jit3A : i32
    %rem3A = vector.broadcast %select_n3A_120 : i32 to vector<1x64xi32>
    %rem3A_121 = arith.remsi %iota3A_116, %rem3A : vector<1x64xi32>
    %ne3A = arith.constant 0 : i32
    %ne3A_122 = vector.broadcast %ne3A : i32 to vector<1x64xi32>
    %ne3A_123 = arith.cmpi ne, %rem3A_121, %ne3A_122 : vector<1x64xi32>
    %lt3A = arith.constant 0 : i32
    %lt3A_124 = vector.broadcast %lt3A : i32 to vector<1x64xi32>
    %lt3A_125 = arith.cmpi slt, %rem3A_121, %lt3A_124 : vector<1x64xi32>
    %lt3A_126 = arith.constant 0 : i32
    %lt3A_127 = arith.cmpi slt, %select_n3A_120, %lt3A_126 : i32
    %ne3A_128 = vector.broadcast %lt3A_127 : i1 to vector<1x64xi1>
    %ne3A_129 = vector.broadcast %ne3A_128 : vector<1x64xi1> to vector<1x64xi1>
    %ne3A_130 = arith.xori %lt3A_125, %ne3A_129 : vector<1x64xi1>
    %and3A = arith.andi %ne3A_130, %ne3A_123 : vector<1x64xi1>
    %add3A_131 = vector.broadcast %select_n3A_120 : i32 to vector<1x64xi32>
    %add3A_132 = arith.addi %rem3A_121, %add3A_131 : vector<1x64xi32>
    %select_n3A_133 = arith.select %and3A, %add3A_132, %rem3A_121 : vector<1x64xi1>, vector<1x64xi32>
    %eq3A_134 = vector.broadcast %select_n3A_133 : vector<1x64xi32> to vector<2048x64xi32>
    %eq3A_135 = vector.broadcast %get3A_6 : vector<2048x1xi32> to vector<2048x64xi32>
    %eq3A_136 = arith.cmpi eq, %eq3A_134, %eq3A_135 : vector<2048x64xi32>
    %add3A_137 = arith.constant 5.000000e-01 : f32
    %add3A_138 = vector.broadcast %add3A_137 : f32 to vector<2048x64xf32>
    %add3A_139 = arith.addf %add3A_115, %add3A_138 : vector<2048x64xf32>
    %select_n3A_140 = arith.select %eq3A_136, %add3A_139, %add3A_115 : vector<2048x64xi1>, vector<2048x64xf32>
    %exp3A_141 = math.exp %select_n3A_140 : vector<2048x64xf32>
    %dot_general3A_142 = arith.constant dense<0.000000e+00> : vector<2048x1xf32>
    %dot_general3A_143 = tpu.matmul %exp3A_141, %broadcast_in_dim3A_99, %dot_general3A_142 {dimension_numbers = #tpu.dot_dimension_numbers<[1], [0], [0], [1], [0, 0, 1, 1], [], []>, transpose_lhs_hint = false} : vector<2048x64xf32>, vector<64x1xf32>, vector<2048x1xf32> -> vector<2048x1xf32>
    %mul3A_144 = arith.mulf %exp3A_141, %select_n3A_140 : vector<2048x64xf32>
    %dot_general3A_145 = arith.constant dense<0.000000e+00> : vector<2048x1xf32>
    %dot_general3A_146 = tpu.matmul %mul3A_144, %broadcast_in_dim3A_99, %dot_general3A_145 {dimension_numbers = #tpu.dot_dimension_numbers<[1], [0], [0], [1], [0, 0, 1, 1], [], []>, transpose_lhs_hint = false} : vector<2048x64xf32>, vector<64x1xf32>, vector<2048x1xf32> -> vector<2048x1xf32>
    %div3A_147 = arith.constant 1.000000e+00 : f32
    %div3A_148 = vector.broadcast %div3A_147 : f32 to vector<2048x1xf32>
    %div3A_149 = arith.divf %div3A_148, %dot_general3A_143 : vector<2048x1xf32>
    %mul3A_150 = vector.broadcast %div3A_149 : vector<2048x1xf32> to vector<2048x64xf32>
    %mul3A_151 = arith.mulf %exp3A_141, %mul3A_150 : vector<2048x64xf32>
    %swap3A_152 = arith.constant 0 : index
    %swap3A_153 = arith.constant 0 : index
    %swap3A_154 = vector.load %arg15[%swap3A_152, %swap3A_153] : memref<2048x64xf32, #tpu.memory_space<vmem>>, vector<2048x64xf32>
    tpu.vector_store %arg15[%swap3A_152, %swap3A_153], %mul3A_151 {strides = array<i32>} : memref<2048x64xf32, #tpu.memory_space<vmem>>, vector<2048x64xf32>,
    %get3A_155 = arith.constant 0 : index
    %get3A_156 = arith.constant 0 : index
    %get3A_157 = vector.load %arg20[%get3A_155, %get3A_156] : memref<1x64xf32, #tpu.memory_space<vmem>>, vector<1x64xf32>
    %reduce_sum3A_158 = arith.constant dense<0.000000e+00> : vector<64xf32>
    %reduce_sum3A_159 = vector.multi_reduction <add>, %mul3A_151, %reduce_sum3A_158 [0] : vector<2048x64xf32> to vector<64xf32>
    %broadcast_in_dim3A_160 = vector.shape_cast %reduce_sum3A_159 : vector<64xf32> to vector<1x64xf32>
    %add3A_161 = arith.addf %get3A_157, %broadcast_in_dim3A_160 : vector<1x64xf32>
    %swap3A_162 = arith.constant 0 : index
    %swap3A_163 = arith.constant 0 : index
    %swap3A_164 = vector.load %arg20[%swap3A_162, %swap3A_163] : memref<1x64xf32, #tpu.memory_space<vmem>>, vector<1x64xf32>
    tpu.vector_store %arg20[%swap3A_162, %swap3A_163], %add3A_161 {strides = array<i32>} : memref<1x64xf32, #tpu.memory_space<vmem>>, vector<1x64xf32>,
    %mul3A_165 = arith.mulf %dot_general3A_146, %div3A_149 : vector<2048x1xf32>
    %log3A = math.log %dot_general3A_143 : vector<2048x1xf32>
    %sub3A = arith.subf %mul3A_165, %log3A : vector<2048x1xf32>
    %get3A_166 = arith.constant 0 : index
    %get3A_167 = arith.constant 0 : index
    %get3A_168 = vector.load %arg21[%get3A_166, %get3A_167] : memref<1x1xf32, #tpu.memory_space<vmem>>, vector<1x1xf32>
    %reduce_sum3A_169 = vector.shape_cast %sub3A : vector<2048x1xf32> to vector<1x2048x1xf32>
    %reduce_sum3A_170 = arith.constant dense<0.000000e+00> : vector<1xf32>
    %reduce_sum3A_171 = vector.multi_reduction <add>, %reduce_sum3A_169, %reduce_sum3A_170 [1, 2] : vector<1x2048x1xf32> to vector<1xf32>
    %reduce_sum3A_172 = vector.shape_cast %reduce_sum3A_171 : vector<1xf32> to vector<1x1x1xf32>
    %reduce_sum3A_173 = vector.extract %reduce_sum3A_172[0, 0, 0] : f32 from vector<1x1x1xf32>
    %reshape3A_174 = vector.broadcast %reduce_sum3A_173 : f32 to vector<1x1xf32>
    %add3A_175 = arith.addf %get3A_168, %reshape3A_174 : vector<1x1xf32>
    %swap3A_176 = arith.constant 0 : index
    %swap3A_177 = arith.constant 0 : index
    %swap3A_178 = vector.load %arg21[%swap3A_176, %swap3A_177] : memref<1x1xf32, #tpu.memory_space<vmem>>, vector<1x1xf32>
    tpu.vector_store %arg21[%swap3A_176, %swap3A_177], %add3A_175 {strides = array<i32>} : memref<1x1xf32, #tpu.memory_space<vmem>>, vector<1x1xf32>,
    %eq3A_179 = arith.constant 3 : i32
    %eq3A_180 = arith.cmpi eq, %arg0, %eq3A_179 : i32
    %convert_element_type3A_181 = arith.extui %eq3A_180 : i1 to i32
    %cond3A_182 = arith.constant 0 : i32
    %cond3A_183 = arith.cmpi ne, %convert_element_type3A_181, %cond3A_182 : i32
    scf.if %cond3A_183 {
      %get3A_184 = arith.constant 0 : index
      %get3A_185 = arith.constant 0 : index
      %get3A_186 = vector.load %arg20[%get3A_184, %get3A_185] : memref<1x64xf32, #tpu.memory_space<vmem>>, vector<1x64xf32>
      %div3A_187 = arith.constant 8.192000e+03 : f32
      %div3A_188 = vector.broadcast %div3A_187 : f32 to vector<1x64xf32>
      %div3A_189 = arith.divf %get3A_186, %div3A_188 : vector<1x64xf32>
      %mul3A_190 = arith.mulf %div3A_189, %div3A_189 : vector<1x64xf32>
      %reduce_sum3A_191 = vector.shape_cast %mul3A_190 : vector<1x64xf32> to vector<1x1x64xf32>
      %reduce_sum3A_192 = arith.constant dense<0.000000e+00> : vector<1xf32>
      %reduce_sum3A_193 = vector.multi_reduction <add>, %reduce_sum3A_191, %reduce_sum3A_192 [1, 2] : vector<1x1x64xf32> to vector<1xf32>
      %reduce_sum3A_194 = vector.shape_cast %reduce_sum3A_193 : vector<1xf32> to vector<1x1x1xf32>
      %reduce_sum3A_195 = vector.extract %reduce_sum3A_194[0, 0, 0] : f32 from vector<1x1x1xf32>
      %mul3A_196 = arith.constant 6.400000e-01 : f32
      %mul3A_197 = arith.mulf %mul3A_196, %reduce_sum3A_195 : f32
      %reshape3A_198 = vector.broadcast %mul3A_197 : f32 to vector<1x1xf32>
      %swap3A_199 = arith.constant 0 : index
      %swap3A_200 = arith.constant 0 : index
      %swap3A_201 = vector.load %arg16[%swap3A_199, %swap3A_200] : memref<1x1xf32, #tpu.memory_space<vmem>>, vector<1x1xf32>
      tpu.vector_store %arg16[%swap3A_199, %swap3A_200], %reshape3A_198 {strides = array<i32>} : memref<1x1xf32, #tpu.memory_space<vmem>>, vector<1x1xf32>,
      %get3A_202 = arith.constant 0 : index
      %get3A_203 = arith.constant 0 : index
      %get3A_204 = vector.load %arg21[%get3A_202, %get3A_203] : memref<1x1xf32, #tpu.memory_space<vmem>>, vector<1x1xf32>
      %get3A_205 = vector.extract %get3A_204[0, 0] : f32 from vector<1x1xf32>
      %neg3A = arith.constant 0.000000e+00 : f32
      %neg3A_206 = arith.subf %neg3A, %get3A_205 : f32
      %div3A_207 = arith.constant 8.192000e+03 : f32
      %div3A_208 = arith.divf %neg3A_206, %div3A_207 : f32
      %reshape3A_209 = vector.broadcast %div3A_208 : f32 to vector<1x1xf32>
      %swap3A_210 = arith.constant 0 : index
      %swap3A_211 = arith.constant 0 : index
      %swap3A_212 = vector.load %arg17[%swap3A_210, %swap3A_211] : memref<1x1xf32, #tpu.memory_space<vmem>>, vector<1x1xf32>
      tpu.vector_store %arg17[%swap3A_210, %swap3A_211], %reshape3A_209 {strides = array<i32>} : memref<1x1xf32, #tpu.memory_space<vmem>>, vector<1x1xf32>,
      %get3A_213 = arith.constant 0 : index
      %get3A_214 = arith.constant 0 : index
      %get3A_215 = vector.load %arg22[%get3A_213, %get3A_214] : memref<1x1xf32, #tpu.memory_space<vmem>>, vector<1x1xf32>
      %get3A_216 = vector.extract %get3A_215[0, 0] : f32 from vector<1x1xf32>
      %div3A_217 = arith.constant 8.192000e+03 : f32
      %div3A_218 = arith.divf %get3A_216, %div3A_217 : f32
      %reshape3A_219 = vector.broadcast %div3A_218 : f32 to vector<1x1xf32>
      %swap3A_220 = arith.constant 0 : index
      %swap3A_221 = arith.constant 0 : index
      %swap3A_222 = vector.load %arg18[%swap3A_220, %swap3A_221] : memref<1x1xf32, #tpu.memory_space<vmem>>, vector<1x1xf32>
      tpu.vector_store %arg18[%swap3A_220, %swap3A_221], %reshape3A_219 {strides = array<i32>} : memref<1x1xf32, #tpu.memory_space<vmem>>, vector<1x1xf32>,
    } else {
    }
    return
  }
  func.func @transform_0(%arg0: i32) -> (i32, i32) {
    %c0_i32 = arith.constant 0 : i32
    %c0_i32_0 = arith.constant 0 : i32
    return %arg0, %c0_i32 : i32, i32
  }
  func.func @transform_1(%arg0: i32) -> (i32, i32) {
    %c0_i32 = arith.constant 0 : i32
    %c0_i32_0 = arith.constant 0 : i32
    return %arg0, %c0_i32 : i32, i32
  }
  func.func @transform_2(%arg0: i32) -> (i32, i32) {
    %c0_i32 = arith.constant 0 : i32
    %c0_i32_0 = arith.constant 0 : i32
    %c0_i32_1 = arith.constant 0 : i32
    return %c0_i32, %c0_i32_0 : i32, i32
  }
  func.func @transform_3(%arg0: i32) -> (i32, i32) {
    %c0_i32 = arith.constant 0 : i32
    %c0_i32_0 = arith.constant 0 : i32
    %c0_i32_1 = arith.constant 0 : i32
    return %c0_i32, %c0_i32_0 : i32, i32
  }
  func.func @transform_4(%arg0: i32) -> (i32, i32) {
    %c0_i32 = arith.constant 0 : i32
    %c0_i32_0 = arith.constant 0 : i32
    %c0_i32_1 = arith.constant 0 : i32
    return %c0_i32, %c0_i32_0 : i32, i32
  }
  func.func @transform_5(%arg0: i32) -> (i32, i32) {
    %c0_i32 = arith.constant 0 : i32
    %c0_i32_0 = arith.constant 0 : i32
    %c0_i32_1 = arith.constant 0 : i32
    return %c0_i32, %c0_i32_0 : i32, i32
  }
  func.func @transform_6(%arg0: i32) -> (i32, i32) {
    %c0_i32 = arith.constant 0 : i32
    %c0_i32_0 = arith.constant 0 : i32
    %c0_i32_1 = arith.constant 0 : i32
    return %c0_i32, %c0_i32_0 : i32, i32
  }
  func.func @transform_7(%arg0: i32) -> (i32, i32) {
    %c0_i32 = arith.constant 0 : i32
    %c0_i32_0 = arith.constant 0 : i32
    %c0_i32_1 = arith.constant 0 : i32
    return %c0_i32, %c0_i32_0 : i32, i32
  }
  func.func @transform_8(%arg0: i32) -> (i32, i32) {
    %c0_i32 = arith.constant 0 : i32
    %c0_i32_0 = arith.constant 0 : i32
    %c0_i32_1 = arith.constant 0 : i32
    return %c0_i32, %c0_i32_0 : i32, i32
  }
  func.func @transform_9(%arg0: i32) -> (i32, i32) {
    %c0_i32 = arith.constant 0 : i32
    %c0_i32_0 = arith.constant 0 : i32
    %c0_i32_1 = arith.constant 0 : i32
    return %c0_i32, %c0_i32_0 : i32, i32
  }
  func.func @transform_10(%arg0: i32) -> (i32, i32) {
    %c0_i32 = arith.constant 0 : i32
    %c0_i32_0 = arith.constant 0 : i32
    %c0_i32_1 = arith.constant 0 : i32
    return %c0_i32, %c0_i32_0 : i32, i32
  }
  func.func @transform_11(%arg0: i32) -> (i32, i32) {
    %c0_i32 = arith.constant 0 : i32
    %c0_i32_0 = arith.constant 0 : i32
    %c0_i32_1 = arith.constant 0 : i32
    return %c0_i32, %c0_i32_0 : i32, i32
  }
  func.func @transform_12(%arg0: i32) -> (i32, i32) {
    %c0_i32 = arith.constant 0 : i32
    %c0_i32_0 = arith.constant 0 : i32
    %c0_i32_1 = arith.constant 0 : i32
    return %c0_i32, %c0_i32_0 : i32, i32
  }
  func.func @transform_13(%arg0: i32) -> (i32, i32) {
    %c0_i32 = arith.constant 0 : i32
    %c0_i32_0 = arith.constant 0 : i32
    %c0_i32_1 = arith.constant 0 : i32
    return %c0_i32, %c0_i32_0 : i32, i32
  }
  func.func @transform_14(%arg0: i32) -> (i32, i32) {
    %c0_i32 = arith.constant 0 : i32
    %c0_i32_0 = arith.constant 0 : i32
    return %arg0, %c0_i32 : i32, i32
  }
  func.func @transform_15(%arg0: i32) -> (i32, i32) {
    %c0_i32 = arith.constant 0 : i32
    %c0_i32_0 = arith.constant 0 : i32
    %c0_i32_1 = arith.constant 0 : i32
    return %c0_i32, %c0_i32_0 : i32, i32
  }
  func.func @transform_16(%arg0: i32) -> (i32, i32) {
    %c0_i32 = arith.constant 0 : i32
    %c0_i32_0 = arith.constant 0 : i32
    %c0_i32_1 = arith.constant 0 : i32
    return %c0_i32, %c0_i32_0 : i32, i32
  }
  func.func @transform_17(%arg0: i32) -> (i32, i32) {
    %c0_i32 = arith.constant 0 : i32
    %c0_i32_0 = arith.constant 0 : i32
    %c0_i32_1 = arith.constant 0 : i32
    return %c0_i32, %c0_i32_0 : i32, i32
  }
}

</mosaic_0001>

<sc_bundles>
// kernel: kernel.4.cloned.1.call-start
scs
__scs_entry_jumppad:
0x0: {  	(pc) =	sbr.rel $0x88, $3  }
0x1: {  	(tag) =	ssettag $0x0;
	lr =	simm.s32 $0x1  }
0x2: {  	[smem:$0x3F92] =	sst lr;
	_ =	strace $0xD0000000  }
0x3: {  	_ = 	snop  }
0x4: {  	_ = 	snop  }
0x5: {  	_ = 	snop  }
0x6: {  	_ = 	snop  }
0x7: {  	_ = 	snop  }
__scs_overlays_trampoline_lowered:
0x8: {  	[smem:$0x3FA1] =	sst s0  }
0x9: {  	[smem:$0x3FA2] =	sst s1  }
0xa: {  	[smem:$0x3FA3] =	sst s2  }
0xb: {  	[smem:$0x3FA4] =	sst s3  }
0xc: {  	[smem:$0x3FA5] =	sst s4  }
0xd: {  	[smem:$0x3FA6] =	sst s5  }
0xe: {  	[smem:$0x3FA7] =	sst s6  }
0xf: {  	[smem:$0x3FA8] =	sst s7  }
0x10: {  	[smem:$0x3FA9] =	sst s8  }
0x11: {  	[smem:$0x3FAA] =	sst s9;
	s0 =	simm.s32 @!p0 $0x0  }
0x12: {  	s1 =	sld [smem:$0x3F90];
	s0 =	simm.s32 @p0 $0x1  }
0x13: {  	[smem:$0x3FAB] =	sst s0;
	s0 =	simm.s32 @!p1 $0x0  }
0x14: {  	s2 =	sld [smem:$0x3F8F];
	s0 =	simm.s32 @p1 $0x1  }
0x15: {  	[smem:$0x3FAC] =	sst s0;
	s0 =	simm.s32 @!p2 $0x0  }
0x16: {  	s3 =	sld [smem:$0x3FDB];
	s0 =	simm.s32 @p2 $0x1  }
0x17: {  	s4 =	simm.s32 $0x1BF5;
	[smem:$0x3FAE] =	sst s0  }
0x18: {  	s0 =	sld [smem:$0x3F91];
	_ =	swait.ge [sflag:s4], $0x0  }
0x19: {  	s7 =	sld [smem:$0x3F92]  }
0x1a: {  	s8 =	sadd.s32 $0xFFFFE003, lr  }
0x1b: {  	s9 =	sadd.s32 $0xFFFFFEF7, lr;
	s5 =	simm.s32 $0xFFFFFFFF;
	p2 =	slt.u32 s8, $0xFFFFF086  }
0x1c: {  	p1 =	slt.u32 s9, $0xF7A;
	s5 =	simm.s32 @!p2 $0x0  }
0x1d: {  	s5 =	simm.s32 @p1 $0x1;
	p0 =	seq.s32 s7, s2  }
0x1e: {  	s7 =	smul.u32 @!p0 $0xF7A, s2;
	p2 =	seq.s32 @!p0 s5, $0x0  }
0x1f: {  	s9 =	smul.u32 $0xF7A, s1;
	s8 =	simm.s32 @!p0 $0x1BF5;
	p2 =	por !p2, p0  }
0x20: {  	[sflag:s8] =	ssyncset.s32 @!p0 $0xFFFFF086;
	s6 =	sadd.s32 @!p0 s3, s7;
	s7 =	simm.s32 @!p0 $0x108  }
0x21: {  	s3 =	sadd.s32 s3, s9;
	s6 =	sadd.s32 @!p0 $0x88, s6;
	s7 =	simm.s32 @p2 $0x1082  }
0x22: {  	[simem:s7], [sflag:s8] =	dma.local @!p0 [hbm:s6], $0xF7A  }
0x23: {  	s9 =	sor.u32 $0xD0000000, s2;
	s6 =	simm.s32 $0x108;
	_ =	swait.ge @!p0 [sflag:s8], $0x0  }
0x24: {  	s3 =	sadd.s32 $0x88, s3;
	s6 =	simm.s32 @!p1 $0x1082;
	[sflag:s4] =	ssyncset.s32 $0xFFFFF086  }
0x25: {  	[simem:s6], [sflag:s4] =	dma.local [hbm:s3], $0xF7A  }
0x26: {  	[smem:$0x3F92] =	sst s1;
	(tag) =	ssettag s2;
	_ =	strace s9  }
0x27: {  	s1 =	sld [smem:$0x3FA2]  }
0x28: {  	s2 =	sld [smem:$0x3FA3]  }
0x29: {  	s4 =	sld [smem:$0x3FA5]  }
0x2a: {  	p0 =	seq.s32 s5, $0x0;
	s5 =	sld [smem:$0x3FA6]  }
0x2b: {  	s6 =	sld [smem:$0x3FA7]  }
0x2c: {  	s7 =	sld [smem:$0x3FA8]  }
0x2d: {  	s3 =	simm.s32 $0x108;
	s8 =	sld [smem:$0x3FA9]  }
0x2e: {  	s3 =	simm.s32 @!p0 $0x1082;
	s9 =	sld [smem:$0x3FAA]  }
0x2f: {  	lr =	sadd.s32 s0, s3;
	s0 =	sld [smem:$0x3FA1]  }
0x30: {  	s3 =	sld [smem:$0x3FA4]  }
0x31: {  	[smem:$0x3FAD] =	sst s10  }
0x32: {  	s10 =	sld [smem:$0x3FAB];
	_ =	sdelay $0x3  }
0x33: {  	p0 =	seq.s32 s10, $0x1;
	s10 =	sld [smem:$0x3FAD];
	_ =	sdelay $0x3  }
0x34: {  	[smem:$0x3FAD] =	sst s10  }
0x35: {  	s10 =	sld [smem:$0x3FAC];
	_ =	sdelay $0x3  }
0x36: {  	p1 =	seq.s32 s10, $0x1;
	s10 =	sld [smem:$0x3FAD];
	_ =	sdelay $0x3  }
0x37: {  	[smem:$0x3FAD] =	sst s10  }
0x38: {  	s10 =	sld [smem:$0x3FAE]  }
0x39: {  	_ = 	snop;
	(pc) =	sbr.ind lr, $3  }
0x3a: {  	_ = 	snop  }
0x3b: {  	_ = 	snop  }
0x3c: {  	p2 =	seq.s32 s10, $0x1;
	s10 =	sld [smem:$0x3FAD]  }
0x3d: {  	_ =	shalt  }
0x3e: {  	_ =	shalt  }
0x3f: {  	_ =	shalt  }
0x40: {  	_ =	shalt  }
0x41: {  	_ =	shalt  }
0x42: {  	_ =	shalt  }
0x43: {  	_ =	shalt  }
0x44: {  	_ =	shalt  }
0x45: {  	_ =	shalt  }
0x46: {  	_ =	shalt  }
0x47: {  	_ =	shalt  }
0x48: {  	_ =	shalt  }
0x49: {  	_ =	shalt  }
0x4a: {  	_ =	shalt  }
0x4b: {  	_ =	shalt  }
0x4c: {  	_ =	shalt  }
0x4d: {  	_ =	shalt  }
0x4e: {  	_ =	shalt  }
0x4f: {  	_ =	shalt  }
0x50: {  	_ =	shalt  }
0x51: {  	_ =	shalt  }
0x52: {  	_ =	shalt  }
0x53: {  	_ =	shalt  }
0x54: {  	_ =	shalt  }
0x55: {  	_ =	shalt  }
0x56: {  	_ =	shalt  }
0x57: {  	_ =	shalt  }
0x58: {  	_ =	shalt  }
0x59: {  	_ =	shalt  }
0x5a: {  	_ =	shalt  }
0x5b: {  	_ =	shalt  }
0x5c: {  	_ =	shalt  }
0x5d: {  	_ =	shalt  }
0x5e: {  	_ =	shalt  }
0x5f: {  	_ =	shalt  }
0x60: {  	_ =	shalt  }
0x61: {  	_ =	shalt  }
0x62: {  	_ =	shalt  }
0x63: {  	_ =	shalt  }
0x64: {  	_ =	shalt  }
0x65: {  	_ =	shalt  }
0x66: {  	_ =	shalt  }
0x67: {  	_ =	shalt  }
0x68: {  	_ =	shalt  }
0x69: {  	_ =	shalt  }
0x6a: {  	_ =	shalt  }
0x6b: {  	_ =	shalt  }
0x6c: {  	_ =	shalt  }
0x6d: {  	_ =	shalt  }
0x6e: {  	_ =	shalt  }
0x6f: {  	_ =	shalt  }
0x70: {  	_ =	shalt  }
0x71: {  	_ =	shalt  }
0x72: {  	_ =	shalt  }
0x73: {  	_ =	shalt  }
0x74: {  	_ =	shalt  }
0x75: {  	_ =	shalt  }
0x76: {  	_ =	shalt  }
0x77: {  	_ =	shalt  }
0x78: {  	_ =	shalt  }
0x79: {  	_ =	shalt  }
0x7a: {  	_ =	shalt  }
0x7b: {  	_ =	shalt  }
0x7c: {  	_ =	shalt  }
0x7d: {  	_ =	shalt  }
0x7e: {  	_ =	shalt  }
0x7f: {  	_ =	shalt  }
0x80: {  	_ =	shalt  }
0x81: {  	_ =	shalt  }
0x82: {  	_ =	shalt  }
0x83: {  	_ =	shalt  }
0x84: {  	_ =	shalt  }
0x85: {  	_ =	shalt  }
0x86: {  	_ =	shalt  }
0x87: {  	_ =	shalt  }
.Lfunc_end0:
.L_simem_size_0:
called_computation_lowered:
.L_overlay_start_0:
0x88: {  	s2 =	sld [smem:$0x3FD9]  }
0x89: {  	s3 =	sld [smem:$0x3FFE];
	_ =	sdelay $0x1  }
0x8a: {  	s1 =	srdreg.scid  }
0x8b: {  	s0 =	sand.u32 $0x1, s1  }
0x8c: {  	s14 =	sshll.u32 s0, $0xA;
	s2 =	sadd.s32 s3, s2  }
0x8d: {  	s2 =	sadd.s32 s2, s14  }
0x8e: {  	[smem:$0x3FB9] =	sst s2  }
0x8f: {  	_ = 	snop  }
0x90: {  	s2 =	sld [smem:$0x3FD0];
	_ =	sdelay $0x2  }
0x91: {  	s15 =	simm.s32 $0xA;
	s4 =	simm.s32 $0x10  }
0x92: {  	[smem:s4], [sflag:s15] =	dma.local [hbm:s2], $0x1  }
0x93: {  	_ =	swait.eq [sflag:s15], $0x1  }
0x94: {  	[sflag:s15] =	ssyncset.done $0x0  }
0x95: {  	[sflag:s15] =	ssyncadd.s32 $0xFFFFFFFF  }
0x96: {  	s16 =	sld [smem:$0x11];
	(tm) =	ssettm $0x1  }
0x97: {  	s17 =	sld [smem:$0x3FFB];
	_ =	sdelay $0x3  }
0x98: {  	_ =	strace s17  }
0x99: {  	s3 =	sld [smem:$0x3FFC];
	_ =	sdelay $0x3  }
0x9a: {  	_ =	strace s3  }
0x9b: {  	s3 =	sld [smem:$0x3FFD];
	_ =	sdelay $0x3  }
0x9c: {  	_ =	strace s3  }
0x9d: {  	_ =	strace $0x8FFFFFFF  }
0x9e: {  	s18 =	sld [smem:$0x3FDB];
	_ =	sdelay $0x1  }
0x9f: {  	s19 =	simm.s32 $_scs_section_size  }
0xa0: {  	s5 =	simm.s32 $_size__tile_overlayer_lowered;
	s6 =	simm.s32 $_tile_overlayer_lowered  }
0xa1: {  	s22 =	simm.s32 $0x1BFF;
	s21 =	sshll.u32 s6, $0x1;
	s3 =	sadd.s32 s19, s18  }
0xa2: {  	s7 =	simm.s32 $0x0;
	s20 =	sshll.u32 s5, $0x1;
	s5 =	sadd.s32 s21, s3  }
0xa3: {  	[timem:s7], [sflag:s22] =	dma.local [hbm:s5], s20  }
0xa4: {  	_ =	swait.ge [sflag:s22], s20  }
0xa5: {  	s4 =	ssub.s32 $0x0, s20;
	[sflag:s22] =	ssyncset.done $0x0  }
0xa6: {  	[sflag:s22] =	ssyncadd.s32 s4;
	_ =	sdelay $0x1  }
0xa7: {  	s23 =	simm.s32 $0x1B8B  }
0xa8: {  	_ =	swait.ge [sflag:s23], $0x1  }
0xa9: {  	[sflag:s23] =	ssyncset.done $0x0  }
0xaa: {  	s25 =	simm.s32 $0x1B8E;
	s24 =	sld [smem:$0x3FFE];
	[sflag:s23] =	ssyncadd.s32 $0xFFFFFFFF  }
0xab: {  	s26 =	simm.s32 $execute0_lowered;
	[smem:$0x3FD2] =	sst s25  }
0xac: {  	s5 =	sshll.u32 s26, $0x1;
	_ =	strace $0x80000046;
	[dreg:$0x1] =	wrdreg $0xFFFFFFFF  }
0xad: {  	s28 =	simm.s32 $_size_execute0_lowered;
	s3 =	sadd.s32 s3, s5;
	[dreg:$0x0] =	wrdreg $0x0  }
0xae: {  	s5 =	sshll.u32 s28, $0x1;
	[dreg:$0x2] =	wrdreg s3  }
0xaf: {  	[dreg:$0x3] =	wrdreg s5  }
0xb0: {  	[dreg:$0x4] =	wrdreg $0xC0  }
0xb1: {  	_ =	task [dreg:s7], $0x5FFFF  }
0xb2: {  	[dreg:$0x1] =	wrdreg $0xFFFFFFFF  }
0xb3: {  	[dreg:$0x0] =	wrdreg $0x60  }
0xb4: {  	[dreg:$0x2] =	wrdreg s24  }
0xb5: {  	[dreg:$0x3] =	wrdreg s16  }
0xb6: {  	[dreg:$0x4] =	wrdreg $0x9  }
0xb7: {  	_ =	task.clear_ibuf [dreg:s7], $0x5FFFF;
	_ =	strace $0x90000046  }
0xb8: {  	s29 =	simm.s32 $0x9;
	_ =	strace $0x80000048  }
0xb9: {  	_ =	swait.ge [sflag:s29], $0x1  }
0xba: {  	[sflag:s29] =	ssyncadd.s32 $0xFFFFFFFF  }
0xbb: {  	_ =	strace $0x90000048  }
0xbc: {  	_ =	sfence  }
0xbd: {  	s30 =	sld [smem:$0x0];
	_ =	sdelay $0x2  }
0xbe: {  	s31 =	sshll.u32 s1, $0xD;
	s1 =	sshrl.u32 s1, $0x2  }
0xbf: {  	s3 =	sand.u32 $0x4000, s31;
	s1 =	sadd.s32 s1, s30  }
0xc0: {  	s0 =	sor.u32 s3, s0;
	s1 =	sshll.u32 s1, $0x11  }
0xc1: {  	s0 =	sor.u32 s1, s0  }
0xc2: {  	s0 =	sadd.s32 $0x8F2B, s0  }
0xc3: {  	[sflag:s0] =	ssyncadd.remote.s32 $0x1  }
0xc4: {  	_ =	sfence.sel $0xFFFF  }
0xc5: {  	[dreg:$0x0] =	wrdreg $0xFFFFFFFF;
	(pc) =	sbr.abs _section_cstart, $3  }
0xc6: {  	[dreg:$0x1] =	wrdreg $0xFFFFFFFF  }
0xc7: {  	_ =	task.clear_ibuf [dreg:s7], $0x2FFFF;
	_ =	strace $0x9FFFFFFF  }
0xc8: {  	(tm) =	ssettm $0x7FFFFFFF  }
0xc9: {  	_ =	shalt  }
tec
execute0_lowered:
.L_overlay_start_1:
0x0: {  	(tag) =	ssettag $0x1  }
0x1: {  	s1 =	srdreg.scid  }
0x2: {  	s8 =	rddreg [dreg:$0x0];
	s0 =	stileid.u32  }
0x3: {  	s3 =	rddreg [dreg:$0x1];
	s2 =	simm.s32 $0x0;
	s6 =	sand.u32 $0x1, s1  }
0x4: {  	s4 =	sshll.u32 s0, $0x9;
	s1 =	rddreg [dreg:$0x2];
	s5 =	sshll.u32 s6, $0x8  }
0x5: {  	s7 =	simm.s32 $0x1;
	[smem:$0x7FF] =	sst s2;
	s9 =	sor.u32 s5, s4  }
0x6: {  	_ =	strace $0x80000047;
	s10 =	ssub.s32 $0x2, s6;
	s4 =	sshrl.u32 s9, $0x3  }
0x7: {  	s6 =	simm.s32 $0x100;
	s4 =	sadd.s32 s3, s4;
	s3 =	simm.s32 $0x2  }
0x8: {  	[tilespmem:s2], [sflag:$0x2] =	stream.linear.gather [hbm4b:s4+s2], $0x100, $0x38;
	[tilespmem:$0x8100] =	vst v63  }
0x9: {  	s5 =	sadd.s32 $0x2200, s8;
	s11 =	sshrl.u32 s10, $0x1;
	_ =	swait.ge [sflag:s3], $0x100  }
0xa: {  	s9 =	sshll.u32 s9, $0x4;
	s31 =	ssub.s32 s10, s11;
	[sflag:s3] =	ssyncset.done $0x0  }
0xb: {  	s8 =	sadd.s32 s9, s8;
	s9 =	smax.u32 s31, $0x1;
	[sflag:s3] =	ssyncadd.s32 $0xFFFFFF00  }
0xc: {  	[tilespmem:s6], [sflag:$0x1] =	stream.indirect.gather [hbm4b:s5+s6], $0x80, s2, s6, $0xb8;
	[tilespmem:$0x8100] =	vst v63  }
0xd: {  	p0 =	sne.s32 s9, $0x1;
	_ =	swait.ge [sflag:s7], $0x8000  }
.Ltmp0:
0xe: {  	[sflag:s7] =	ssyncset.done $0x0;
	(pc) =	sbr.rel @!p0 .LBB2_2-.Ltmp0, $4  }
0xf: {  	s8 =	sadd.s32 $0x2400, s8;
	[sflag:s7] =	ssyncadd.s32 $0xFFFF8000  }
0x10: {  	[hbm4b:s8+s2] =	stream.linear.scatter [tilespmem:s6], [sflag:$0x2], $0x8000, $0x38;
	[tilespmem:$0x8100] =	vst v63  }
0x11: {  	_ =	swait.ge [sflag:s3], $0x8000  }
0x12: {  	s9 =	sadd.s32 $0xFFFFFFFF, s9;
	[sflag:s3] =	ssyncset.done $0x0  }
.LBB2_1:
0x13: {  	p0 =	sne.s32 s9, $0x1;
	s9 =	sadd.s32 $0xFFFFFFFF, s9;
	[sflag:s3] =	ssyncadd.s32 $0xFFFF8000  }
0x14: {  	[tilespmem:s2], [sflag:$0x2] =	stream.linear.gather [hbm4b:s4+s2], $0x100, $0x38;
	[tilespmem:$0x8100] =	vst v63  }
0x15: {  	_ =	swait.ge [sflag:s3], $0x100  }
0x16: {  	[sflag:s3] =	ssyncset.done $0x0  }
0x17: {  	[sflag:s3] =	ssyncadd.s32 $0xFFFFFF00  }
0x18: {  	[tilespmem:s6], [sflag:$0x1] =	stream.indirect.gather [hbm4b:s5+s6], $0x80, s2, s6, $0xb8;
	[tilespmem:$0x8100] =	vst v63  }
0x19: {  	_ =	swait.ge [sflag:s7], $0x8000  }
.Ltmp1:
0x1a: {  	[sflag:s7] =	ssyncset.done $0x0;
	(pc) =	sbr.rel @p0 .LBB2_1-.Ltmp1, $4  }
0x1b: {  	[sflag:s7] =	ssyncadd.s32 $0xFFFF8000  }
0x1c: {  	[hbm4b:s8+s2] =	stream.linear.scatter [tilespmem:s6], [sflag:$0x2], $0x8000, $0x38;
	[tilespmem:$0x8100] =	vst v63  }
0x1d: {  	_ =	swait.ge [sflag:s3], $0x8000  }
0x1e: {  	[sflag:s3] =	ssyncset.done $0x0  }
.LBB2_2:
0x1f: {  	[sflag:s3] =	ssyncadd.s32 $0xFFFF8000  }
0x20: {  	_ =	sfence.sel $0x180000  }
0x21: {  	[bflag:$0x0] =	sbarrier.arrive $0xFFFF  }
0x22: {  	p0 =	sne.s32 s0, $0x0;
	_ =	strace $0x90000047  }
0x23: {  	s0 =	sadd.s32 @!p0 $0x100000, s1;
	[bflag:$0x2] =	sbarrier.arrive $0xFFFF  }
0x24: {  	[sflag:s0] =	ssyncadd.tile.s32 @!p0 $0x1;
	_ =	shalt  }
.Lfunc_end2:
_tile_overlayer_lowered:
.L_overlay_start_2:
0x25: {  	(tag) =	ssettag $0x2  }
0x26: {  	s0 =	rddreg [dreg:$0x0];
	s2 =	stileid.u32  }
0x27: {  	s1 =	rddreg [dreg:$0x1];
	p0 =	sne.s32 s2, $0x0  }
0x28: {  	s3 =	rddreg [dreg:$0x2];
	[bflag:$0x3] =	sbarrier.arrive $0xFFFF;
	s2 =	simm.s32 @!p0 $0x1C02  }
0x29: {  	[timem:s3], [sflag:s2] =	dma.local @!p0 [hbm:s0], s1  }
0x2a: {  	s0 =	simm.s32 @!p0 $0x2  }
0x2b: {  	_ =	swait.ge @!p0 [sflag:s0], s1  }
0x2c: {  	s1 =	ssub.s32 @!p0 $0x0, s1;
	[sflag:s0] =	ssyncset.done @!p0 $0x0  }
0x2d: {  	[sflag:s0] =	ssyncadd.s32 @!p0 s1  }
0x2e: {  	[bflag:$0x3] =	sbarrier.arrive $0xFFFF  }
0x2f: {  	_ =	shalt  }

</sc_bundles>
